<compile_context>
chip_gen: v7x
topology: tpu7x:2x2x1
jax: 0.10.2.dev20260603
libtpu: 0.0.44.dev20260713+nightly
codegen_flags: <defaults>
</compile_context>

<pallas_src>
import functools

import jax
import jax.numpy as jnp
from jax import lax
from jax.experimental import pallas as pl
from jax.experimental.pallas import tpu as pltpu
from jax.experimental.pallas import tpu_sc as plsc

D = 1024
S = 4096
R = 2 * S
V = 199
VP = 256
NW = 32

SC_SKIP = 2048
SC_ROWS = S - SC_SKIP
ROWS_PER_W = SC_ROWS // NW
CH = 16
NT = ROWS_PER_W // CH

TB = 1024
NTB = (S + SC_SKIP) // TB
VC = 2 * VP


@functools.partial(
    pl.kernel,
    mesh=plsc.VectorSubcoreMesh(core_axis_name="c", subcore_axis_name="s"),
    out_type=jax.ShapeDtypeStruct((R, D), jnp.float32),
    scratch_types=[
        pltpu.VMEM((ROWS_PER_W,), jnp.int32),
        pltpu.VMEM((CH, D), jnp.float32),
        pltpu.VMEM((CH, D), jnp.float32),
        pltpu.SemaphoreType.DMA,
        pltpu.SemaphoreType.DMA,
        pltpu.SemaphoreType.DMA,
        pltpu.SemaphoreType.DMA,
    ],
)
def _sc_image_part(idx_hbm, image_hbm, out_hbm, idx_v,
                   buf_a, buf_b, sg_a, sg_b, ss_a, ss_b):
    wid = lax.axis_index("s") * 2 + lax.axis_index("c")
    base = SC_SKIP + wid * ROWS_PER_W
    pltpu.sync_copy(idx_hbm.at[pl.ds(base, ROWS_PER_W)], idx_v)

    bufs = (buf_a, buf_b)
    sg = (sg_a, sg_b)
    ss = (ss_a, ss_b)

    def start_gather(i):
        b = i % 2
        idx_slice = idx_v.at[pl.ds(i * CH, CH)]
        return pltpu.async_copy(image_hbm.at[idx_slice], bufs[b], sg[b])

    def start_store(i):
        b = i % 2
        dst = out_hbm.at[pl.ds(S + base + i * CH, CH)]
        return pltpu.async_copy(bufs[b], dst, ss[b])

    g = [None] * NT
    s = [None] * NT
    g[0] = start_gather(0)
    for i in range(NT):
        if i + 1 < NT:
            if i >= 1:
                s[i - 1].wait()
            g[i + 1] = start_gather(i + 1)
        g[i].wait()
        s[i] = start_store(i)
    s[NT - 2].wait()
    s[NT - 1].wait()


def _tc_body(idx_ref, tab_ref, _aliased_ref, out_ref):
    idx_b = idx_ref[0, 0, :]
    cols = lax.broadcasted_iota(jnp.int32, (TB, VC), 1)
    one_hot = (idx_b[:, None] == cols).astype(jnp.bfloat16)
    out_ref[...] = jnp.dot(one_hot, tab_ref[...],
                           preferred_element_type=jnp.float32)


_tc_part = pl.pallas_call(
    _tc_body,
    grid=(NTB,),
    in_specs=[
        pl.BlockSpec((1, 1, TB), lambda i: (i, 0, 0)),
        pl.BlockSpec((VC, D), lambda i: (0, 0)),
        pl.BlockSpec(memory_space=pl.ANY),
    ],
    out_specs=pl.BlockSpec((TB, D), lambda i: (i, 0)),
    out_shape=jax.ShapeDtypeStruct((R, D), jnp.float32),
    input_output_aliases={2: 0},
)


def kernel(hidden_states, text_end_position, multiway_split_position, text_table, image_table):
    del hidden_states, multiway_split_position
    idx = text_end_position.reshape(S).astype(jnp.int32)
    part = _sc_image_part(idx, image_table)
    tabs = jnp.concatenate([
        jnp.pad(text_table, ((0, VP - V), (0, 0))),
        jnp.pad(image_table[:V], ((0, VP - V), (0, 0))),
    ]).astype(jnp.bfloat16)
    idx_tc = jnp.concatenate([idx, idx[:SC_SKIP] + VP]).reshape(NTB, 1, TB)
    out = _tc_part(idx_tc, tabs, part)
    return out.reshape(1, R, D)

# --- scband reference (transcript-rebuilt; emitter-appended) ---
"""Pipeline reference for scband-beit3-embedder-41575283425291 (READ-ONLY COPY).

The authoritative reference and input builder live on the scoring server;
editing this copy changes nothing except your own understanding.
"""

import jax, jax.numpy as jnp
import numpy as np

IMG_SIZE = 224
PATCH_SIZE = 16
EMBED_DIM = 1024
MAX_SOURCE_POSITIONS = 8192
NUM_PATCHES = (IMG_SIZE // PATCH_SIZE) * (IMG_SIZE // PATCH_SIZE) + 1  # 197
TEXT_VOCAB = NUM_PATCHES + 2  # 199
B, S, D = 1, 4096, EMBED_DIM
SPLIT = 2048


def setup_inputs(seed: int = 0) -> dict:
    key = jax.random.key(seed)
    k1, k2, k3, k4 = jax.random.split(key, 4)
    hidden_states = jax.random.normal(k1, (B, S, D), dtype=jnp.float32)
    text_end_position = jax.random.randint(k2, (1, S), 0, TEXT_VOCAB)
    text_table = jax.random.normal(k3, (TEXT_VOCAB, D), dtype=jnp.float32) * 0.02
    image_table = jax.random.normal(k4, (MAX_SOURCE_POSITIONS, D), dtype=jnp.float32) * 0.02
    return {
        "hidden_states": hidden_states,
        "text_end_position": text_end_position,
        "multiway_split_position": SPLIT,
        "text_table": text_table,
        "image_table": image_table,
    }


def reference(hidden_states, text_end_position, multiway_split_position, text_table, image_table):
    # Faithful translation of Beit3Embedder.forward with text_end_position given
    # and multiway_split_position > 0 (split path exercising both tables).
    # multiway_split_position is always SPLIT (> 0), so the -1 and 0 branches are
    # statically dead; the static split size equals hidden_states.shape[1] // 2.
    split = hidden_states.shape[1] // 2
    text_hidden = jax.lax.dynamic_slice_in_dim(hidden_states, 0, split, axis=1)
    image_hidden = jax.lax.dynamic_slice_in_dim(
        hidden_states, multiway_split_position, hidden_states.shape[1] - split, axis=1
    )
    # text_end_position is not None -> both position tensors are text_end_position
    text_positions = text_end_position
    image_positions = text_end_position
    text_representations = jnp.take(text_table, text_positions, axis=0)
    image_representations = jnp.take(image_table, image_positions, axis=0)
    return jnp.concatenate([text_representations, image_representations], axis=1)

if __name__ == "__main__":
    import jax
    _d = setup_inputs()
    print(jax.jit(kernel)(*tuple(_d.values())))

</pallas_src>

<mosaic_0001>
#map = affine_map<(d0, d1) -> (0)>
#map1 = affine_map<(d0, d1) -> (0, 0)>
module attributes {stable_mosaic.version = 14 : i64} {
  func.func @_sc_image_part(%arg0: i32, %arg1: i32, %arg2: memref<4096xi32, #tpu.memory_space<hbm>>, %arg3: memref<8192x1024xf32, #tpu.memory_space<hbm>>, %arg4: memref<8192x1024xf32, #tpu.memory_space<hbm>>, %arg5: memref<64xi32, #tpu.memory_space<vmem>>, %arg6: memref<16x1024xf32, #tpu.memory_space<vmem>>, %arg7: memref<16x1024xf32, #tpu.memory_space<vmem>>, %arg8: memref<!tpu.dma_semaphore, #tpu.memory_space<semaphore_mem>>, %arg9: memref<!tpu.dma_semaphore, #tpu.memory_space<semaphore_mem>>, %arg10: memref<!tpu.dma_semaphore, #tpu.memory_space<semaphore_mem>>, %arg11: memref<!tpu.dma_semaphore, #tpu.memory_space<semaphore_mem>>) attributes {dimension_semantics = [#tpu.dimension_semantics<core_parallel>, #tpu.dimension_semantics<subcore_parallel>], iteration_bounds = array<i64: 2, 16>, scalar_prefetch = 0 : i64, scratch_operands = 7 : i64, tpu.core_type = #tpu.core_type<sc_vector_subcore>, window_params = [{transform_indices = #map}, {transform_indices = #map1}, {transform_indices = #map1}]} {
    %mul3A = arith.constant 2 : i32
    %mul3A_0 = arith.muli %arg1, %mul3A : i32
    %add3A = arith.addi %mul3A_0, %arg0 : i32
    %mul3A_1 = arith.constant 64 : i32
    %mul3A_2 = arith.muli %add3A, %mul3A_1 : i32
    %add3A_3 = arith.constant 2048 : i32
    %add3A_4 = arith.addi %add3A_3, %mul3A_2 : i32
    "tpu.region"() ({
      %run_scoped3A = tpu.sem_alloc : memref<!tpu.dma_semaphore, #tpu.memory_space<semaphore_mem>>
      %dma_start3A_91 = tpu.memref_slice %arg2[%add3A_4] : memref<4096xi32, #tpu.memory_space<hbm>> -> memref<64xi32, #tpu.memory_space<hbm>>
      %dma_start3A_92 = tpu.memref_slice %arg2[%add3A_4] : memref<4096xi32, #tpu.memory_space<hbm>> -> memref<64xi32, #tpu.memory_space<hbm>>
      tpu.enqueue_dma source(%dma_start3A_92 : memref<64xi32, #tpu.memory_space<hbm>>) target(%arg5 : memref<64xi32, #tpu.memory_space<vmem>>) target_semaphore(%run_scoped3A : memref<!tpu.dma_semaphore, #tpu.memory_space<semaphore_mem>>)
      %dma_wait3A_93 = tpu.memref_slice %arg2[%add3A_4] : memref<4096xi32, #tpu.memory_space<hbm>> -> memref<64xi32, #tpu.memory_space<hbm>>
      %dma_wait3A_94 = tpu.memref_slice %arg2[%add3A_4] : memref<4096xi32, #tpu.memory_space<hbm>> -> memref<64xi32, #tpu.memory_space<hbm>>
      tpu.wait_dma2 semaphore(%run_scoped3A : memref<!tpu.dma_semaphore, #tpu.memory_space<semaphore_mem>>) src(%dma_wait3A_94 : memref<64xi32, #tpu.memory_space<hbm>>) dst(%arg5 : memref<64xi32, #tpu.memory_space<vmem>>)
      tpu.yield
    }) : () -> ()
    %dma_start3A = arith.constant 0 : i32
    %dma_start3A_5 = tpu.memref_slice %arg5[%dma_start3A] : memref<64xi32, #tpu.memory_space<vmem>> -> memref<16xi32, #tpu.memory_space<vmem>>
    %dma_start3A_6 = arith.constant 0 : i32
    %dma_start3A_7 = arith.constant 0 : i32
    %dma_start3A_8 = tpu.memref_slice %arg3[%dma_start3A_6, %dma_start3A_7] : memref<8192x1024xf32, #tpu.memory_space<hbm>> -> memref<8192x1024xf32, #tpu.memory_space<hbm>>
    tpu.enqueue_indirect_dma source(%dma_start3A_8 : memref<8192x1024xf32, #tpu.memory_space<hbm>>) target(%arg6 : memref<16x1024xf32, #tpu.memory_space<vmem>>) offsets(%dma_start3A_5 : memref<16xi32, #tpu.memory_space<vmem>>) semaphore(%arg8 : memref<!tpu.dma_semaphore, #tpu.memory_space<semaphore_mem>>)
    %dma_start3A_9 = arith.constant 16 : i32
    %dma_start3A_10 = tpu.memref_slice %arg5[%dma_start3A_9] : memref<64xi32, #tpu.memory_space<vmem>> -> memref<16xi32, #tpu.memory_space<vmem>>
    %dma_start3A_11 = arith.constant 0 : i32
    %dma_start3A_12 = arith.constant 0 : i32
    %dma_start3A_13 = tpu.memref_slice %arg3[%dma_start3A_11, %dma_start3A_12] : memref<8192x1024xf32, #tpu.memory_space<hbm>> -> memref<8192x1024xf32, #tpu.memory_space<hbm>>
    tpu.enqueue_indirect_dma source(%dma_start3A_13 : memref<8192x1024xf32, #tpu.memory_space<hbm>>) target(%arg7 : memref<16x1024xf32, #tpu.memory_space<vmem>>) offsets(%dma_start3A_10 : memref<16xi32, #tpu.memory_space<vmem>>) semaphore(%arg9 : memref<!tpu.dma_semaphore, #tpu.memory_space<semaphore_mem>>)
    %dma_wait3A = arith.constant 0 : i32
    %dma_wait3A_14 = tpu.memref_slice %arg5[%dma_wait3A] : memref<64xi32, #tpu.memory_space<vmem>> -> memref<16xi32, #tpu.memory_space<vmem>>
    %dma_wait3A_15 = arith.constant 0 : i32
    %dma_wait3A_16 = arith.constant 0 : i32
    %dma_wait3A_17 = tpu.memref_slice %arg3[%dma_wait3A_15, %dma_wait3A_16] : memref<8192x1024xf32, #tpu.memory_space<hbm>> -> memref<8192x1024xf32, #tpu.memory_space<hbm>>
    tpu.wait_indirect_dma semaphore(%arg8 : memref<!tpu.dma_semaphore, #tpu.memory_space<semaphore_mem>>) src(%dma_wait3A_17 : memref<8192x1024xf32, #tpu.memory_space<hbm>>) dst(%arg6 : memref<16x1024xf32, #tpu.memory_space<vmem>>)
    %add3A_18 = arith.constant 4096 : i32
    %add3A_19 = arith.addi %add3A_18, %add3A_4 : i32
    %add3A_20 = arith.constant 0 : i32
    %add3A_21 = arith.addi %add3A_19, %add3A_20 : i32
    %dma_start3A_22 = arith.constant 0 : i32
    %dma_start3A_23 = tpu.memref_slice %arg4[%add3A_21, %dma_start3A_22] : memref<8192x1024xf32, #tpu.memory_space<hbm>> -> memref<16x1024xf32, #tpu.memory_space<hbm>>
    %dma_start3A_24 = arith.constant 0 : i32
    %dma_start3A_25 = tpu.memref_slice %arg4[%add3A_21, %dma_start3A_24] : memref<8192x1024xf32, #tpu.memory_space<hbm>> -> memref<16x1024xf32, #tpu.memory_space<hbm>>
    tpu.enqueue_dma source(%arg6 : memref<16x1024xf32, #tpu.memory_space<vmem>>) target(%dma_start3A_25 : memref<16x1024xf32, #tpu.memory_space<hbm>>) target_semaphore(%arg10 : memref<!tpu.dma_semaphore, #tpu.memory_space<semaphore_mem>>)
    %dma_wait3A_26 = arith.constant 0 : i32
    %dma_wait3A_27 = tpu.memref_slice %arg4[%add3A_21, %dma_wait3A_26] : memref<8192x1024xf32, #tpu.memory_space<hbm>> -> memref<16x1024xf32, #tpu.memory_space<hbm>>
    %dma_wait3A_28 = arith.constant 0 : i32
    %dma_wait3A_29 = tpu.memref_slice %arg4[%add3A_21, %dma_wait3A_28] : memref<8192x1024xf32, #tpu.memory_space<hbm>> -> memref<16x1024xf32, #tpu.memory_space<hbm>>
    tpu.wait_dma2 semaphore(%arg10 : memref<!tpu.dma_semaphore, #tpu.memory_space<semaphore_mem>>) src(%arg6 : memref<16x1024xf32, #tpu.memory_space<vmem>>) dst(%dma_wait3A_29 : memref<16x1024xf32, #tpu.memory_space<hbm>>)
    %dma_start3A_30 = arith.constant 32 : i32
    %dma_start3A_31 = tpu.memref_slice %arg5[%dma_start3A_30] : memref<64xi32, #tpu.memory_space<vmem>> -> memref<16xi32, #tpu.memory_space<vmem>>
    %dma_start3A_32 = arith.constant 0 : i32
    %dma_start3A_33 = arith.constant 0 : i32
    %dma_start3A_34 = tpu.memref_slice %arg3[%dma_start3A_32, %dma_start3A_33] : memref<8192x1024xf32, #tpu.memory_space<hbm>> -> memref<8192x1024xf32, #tpu.memory_space<hbm>>
    tpu.enqueue_indirect_dma source(%dma_start3A_34 : memref<8192x1024xf32, #tpu.memory_space<hbm>>) target(%arg6 : memref<16x1024xf32, #tpu.memory_space<vmem>>) offsets(%dma_start3A_31 : memref<16xi32, #tpu.memory_space<vmem>>) semaphore(%arg8 : memref<!tpu.dma_semaphore, #tpu.memory_space<semaphore_mem>>)
    %dma_wait3A_35 = arith.constant 16 : i32
    %dma_wait3A_36 = tpu.memref_slice %arg5[%dma_wait3A_35] : memref<64xi32, #tpu.memory_space<vmem>> -> memref<16xi32, #tpu.memory_space<vmem>>
    %dma_wait3A_37 = arith.constant 0 : i32
    %dma_wait3A_38 = arith.constant 0 : i32
    %dma_wait3A_39 = tpu.memref_slice %arg3[%dma_wait3A_37, %dma_wait3A_38] : memref<8192x1024xf32, #tpu.memory_space<hbm>> -> memref<8192x1024xf32, #tpu.memory_space<hbm>>
    tpu.wait_indirect_dma semaphore(%arg9 : memref<!tpu.dma_semaphore, #tpu.memory_space<semaphore_mem>>) src(%dma_wait3A_39 : memref<8192x1024xf32, #tpu.memory_space<hbm>>) dst(%arg7 : memref<16x1024xf32, #tpu.memory_space<vmem>>)
    %add3A_40 = arith.constant 4096 : i32
    %add3A_41 = arith.addi %add3A_40, %add3A_4 : i32
    %add3A_42 = arith.constant 16 : i32
    %add3A_43 = arith.addi %add3A_41, %add3A_42 : i32
    %dma_start3A_44 = arith.constant 0 : i32
    %dma_start3A_45 = tpu.memref_slice %arg4[%add3A_43, %dma_start3A_44] : memref<8192x1024xf32, #tpu.memory_space<hbm>> -> memref<16x1024xf32, #tpu.memory_space<hbm>>
    %dma_start3A_46 = arith.constant 0 : i32
    %dma_start3A_47 = tpu.memref_slice %arg4[%add3A_43, %dma_start3A_46] : memref<8192x1024xf32, #tpu.memory_space<hbm>> -> memref<16x1024xf32, #tpu.memory_space<hbm>>
    tpu.enqueue_dma source(%arg7 : memref<16x1024xf32, #tpu.memory_space<vmem>>) target(%dma_start3A_47 : memref<16x1024xf32, #tpu.memory_space<hbm>>) target_semaphore(%arg11 : memref<!tpu.dma_semaphore, #tpu.memory_space<semaphore_mem>>)
    %dma_wait3A_48 = arith.constant 0 : i32
    %dma_wait3A_49 = tpu.memref_slice %arg4[%add3A_43, %dma_wait3A_48] : memref<8192x1024xf32, #tpu.memory_space<hbm>> -> memref<16x1024xf32, #tpu.memory_space<hbm>>
    %dma_wait3A_50 = arith.constant 0 : i32
    %dma_wait3A_51 = tpu.memref_slice %arg4[%add3A_43, %dma_wait3A_50] : memref<8192x1024xf32, #tpu.memory_space<hbm>> -> memref<16x1024xf32, #tpu.memory_space<hbm>>
    tpu.wait_dma2 semaphore(%arg11 : memref<!tpu.dma_semaphore, #tpu.memory_space<semaphore_mem>>) src(%arg7 : memref<16x1024xf32, #tpu.memory_space<vmem>>) dst(%dma_wait3A_51 : memref<16x1024xf32, #tpu.memory_space<hbm>>)
    %dma_start3A_52 = arith.constant 48 : i32
    %dma_start3A_53 = tpu.memref_slice %arg5[%dma_start3A_52] : memref<64xi32, #tpu.memory_space<vmem>> -> memref<16xi32, #tpu.memory_space<vmem>>
    %dma_start3A_54 = arith.constant 0 : i32
    %dma_start3A_55 = arith.constant 0 : i32
    %dma_start3A_56 = tpu.memref_slice %arg3[%dma_start3A_54, %dma_start3A_55] : memref<8192x1024xf32, #tpu.memory_space<hbm>> -> memref<8192x1024xf32, #tpu.memory_space<hbm>>
    tpu.enqueue_indirect_dma source(%dma_start3A_56 : memref<8192x1024xf32, #tpu.memory_space<hbm>>) target(%arg7 : memref<16x1024xf32, #tpu.memory_space<vmem>>) offsets(%dma_start3A_53 : memref<16xi32, #tpu.memory_space<vmem>>) semaphore(%arg9 : memref<!tpu.dma_semaphore, #tpu.memory_space<semaphore_mem>>)
    %dma_wait3A_57 = arith.constant 32 : i32
    %dma_wait3A_58 = tpu.memref_slice %arg5[%dma_wait3A_57] : memref<64xi32, #tpu.memory_space<vmem>> -> memref<16xi32, #tpu.memory_space<vmem>>
    %dma_wait3A_59 = arith.constant 0 : i32
    %dma_wait3A_60 = arith.constant 0 : i32
    %dma_wait3A_61 = tpu.memref_slice %arg3[%dma_wait3A_59, %dma_wait3A_60] : memref<8192x1024xf32, #tpu.memory_space<hbm>> -> memref<8192x1024xf32, #tpu.memory_space<hbm>>
    tpu.wait_indirect_dma semaphore(%arg8 : memref<!tpu.dma_semaphore, #tpu.memory_space<semaphore_mem>>) src(%dma_wait3A_61 : memref<8192x1024xf32, #tpu.memory_space<hbm>>) dst(%arg6 : memref<16x1024xf32, #tpu.memory_space<vmem>>)
    %add3A_62 = arith.constant 4096 : i32
    %add3A_63 = arith.addi %add3A_62, %add3A_4 : i32
    %add3A_64 = arith.constant 32 : i32
    %add3A_65 = arith.addi %add3A_63, %add3A_64 : i32
    %dma_start3A_66 = arith.constant 0 : i32
    %dma_start3A_67 = tpu.memref_slice %arg4[%add3A_65, %dma_start3A_66] : memref<8192x1024xf32, #tpu.memory_space<hbm>> -> memref<16x1024xf32, #tpu.memory_space<hbm>>
    %dma_start3A_68 = arith.constant 0 : i32
    %dma_start3A_69 = tpu.memref_slice %arg4[%add3A_65, %dma_start3A_68] : memref<8192x1024xf32, #tpu.memory_space<hbm>> -> memref<16x1024xf32, #tpu.memory_space<hbm>>
    tpu.enqueue_dma source(%arg6 : memref<16x1024xf32, #tpu.memory_space<vmem>>) target(%dma_start3A_69 : memref<16x1024xf32, #tpu.memory_space<hbm>>) target_semaphore(%arg10 : memref<!tpu.dma_semaphore, #tpu.memory_space<semaphore_mem>>)
    %dma_wait3A_70 = arith.constant 48 : i32
    %dma_wait3A_71 = tpu.memref_slice %arg5[%dma_wait3A_70] : memref<64xi32, #tpu.memory_space<vmem>> -> memref<16xi32, #tpu.memory_space<vmem>>
    %dma_wait3A_72 = arith.constant 0 : i32
    %dma_wait3A_73 = arith.constant 0 : i32
    %dma_wait3A_74 = tpu.memref_slice %arg3[%dma_wait3A_72, %dma_wait3A_73] : memref<8192x1024xf32, #tpu.memory_space<hbm>> -> memref<8192x1024xf32, #tpu.memory_space<hbm>>
    tpu.wait_indirect_dma semaphore(%arg9 : memref<!tpu.dma_semaphore, #tpu.memory_space<semaphore_mem>>) src(%dma_wait3A_74 : memref<8192x1024xf32, #tpu.memory_space<hbm>>) dst(%arg7 : memref<16x1024xf32, #tpu.memory_space<vmem>>)
    %add3A_75 = arith.constant 4096 : i32
    %add3A_76 = arith.addi %add3A_75, %add3A_4 : i32
    %add3A_77 = arith.constant 48 : i32
    %add3A_78 = arith.addi %add3A_76, %add3A_77 : i32
    %dma_start3A_79 = arith.constant 0 : i32
    %dma_start3A_80 = tpu.memref_slice %arg4[%add3A_78, %dma_start3A_79] : memref<8192x1024xf32, #tpu.memory_space<hbm>> -> memref<16x1024xf32, #tpu.memory_space<hbm>>
    %dma_start3A_81 = arith.constant 0 : i32
    %dma_start3A_82 = tpu.memref_slice %arg4[%add3A_78, %dma_start3A_81] : memref<8192x1024xf32, #tpu.memory_space<hbm>> -> memref<16x1024xf32, #tpu.memory_space<hbm>>
    tpu.enqueue_dma source(%arg7 : memref<16x1024xf32, #tpu.memory_space<vmem>>) target(%dma_start3A_82 : memref<16x1024xf32, #tpu.memory_space<hbm>>) target_semaphore(%arg11 : memref<!tpu.dma_semaphore, #tpu.memory_space<semaphore_mem>>)
    %dma_wait3A_83 = arith.constant 0 : i32
    %dma_wait3A_84 = tpu.memref_slice %arg4[%add3A_65, %dma_wait3A_83] : memref<8192x1024xf32, #tpu.memory_space<hbm>> -> memref<16x1024xf32, #tpu.memory_space<hbm>>
    %dma_wait3A_85 = arith.constant 0 : i32
    %dma_wait3A_86 = tpu.memref_slice %arg4[%add3A_65, %dma_wait3A_85] : memref<8192x1024xf32, #tpu.memory_space<hbm>> -> memref<16x1024xf32, #tpu.memory_space<hbm>>
    tpu.wait_dma2 semaphore(%arg10 : memref<!tpu.dma_semaphore, #tpu.memory_space<semaphore_mem>>) src(%arg6 : memref<16x1024xf32, #tpu.memory_space<vmem>>) dst(%dma_wait3A_86 : memref<16x1024xf32, #tpu.memory_space<hbm>>)
    %dma_wait3A_87 = arith.constant 0 : i32
    %dma_wait3A_88 = tpu.memref_slice %arg4[%add3A_78, %dma_wait3A_87] : memref<8192x1024xf32, #tpu.memory_space<hbm>> -> memref<16x1024xf32, #tpu.memory_space<hbm>>
    %dma_wait3A_89 = arith.constant 0 : i32
    %dma_wait3A_90 = tpu.memref_slice %arg4[%add3A_78, %dma_wait3A_89] : memref<8192x1024xf32, #tpu.memory_space<hbm>> -> memref<16x1024xf32, #tpu.memory_space<hbm>>
    tpu.wait_dma2 semaphore(%arg11 : memref<!tpu.dma_semaphore, #tpu.memory_space<semaphore_mem>>) src(%arg7 : memref<16x1024xf32, #tpu.memory_space<vmem>>) dst(%dma_wait3A_90 : memref<16x1024xf32, #tpu.memory_space<hbm>>)
    return
  }
}

module attributes {stable_mosaic.version = 14 : i64} {
  func.func @_tc_body(%arg0: i32, %arg1: memref<1x1x1024xi32, #tpu.memory_space<vmem>>, %arg2: memref<512x1024xbf16, #tpu.memory_space<vmem>>, %arg3: memref<8192x1024xf32, #tpu.memory_space<any>>, %arg4: memref<1024x1024xf32, #tpu.memory_space<vmem>>) attributes {dimension_semantics = [#tpu.dimension_semantics<arbitrary>], iteration_bounds = array<i64: 6>, scalar_prefetch = 0 : i64, scratch_operands = 0 : i64, tpu.core_type = #tpu.core_type<tc>, window_params = [{transform_indices = @transform_0, window_bounds = array<i64: 1, 1, 1024>}, {pipeline_mode = #tpu.pipeline_mode<synchronous>, transform_indices = @transform_1, window_bounds = array<i64: 512, 1024>}, {}, {transform_indices = @transform_3, window_bounds = array<i64: 1024, 1024>}]} {
    %get3A = arith.constant 0 : index
    %get3A_0 = arith.constant 0 : index
    %get3A_1 = arith.constant 0 : index
    %get3A_2 = vector.load %arg1[%get3A, %get3A_0, %get3A_1] : memref<1x1x1024xi32, #tpu.memory_space<vmem>>, vector<1x1x1024xi32>
    %get3A_3 = vector.shape_cast %get3A_2 : vector<1x1x1024xi32> to vector<1024xi32>
    %iota3A = tpu.iota {dimensions = array<i32: 1>} : vector<1024x512xi32>
    %broadcast_in_dim3A = vector.shape_cast %get3A_3 : vector<1024xi32> to vector<1024x1xi32>
    %eq3A = vector.broadcast %broadcast_in_dim3A : vector<1024x1xi32> to vector<1024x512xi32>
    %eq3A_4 = arith.cmpi eq, %eq3A, %iota3A : vector<1024x512xi32>
    %convert_element_type3A = arith.extui %eq3A_4 : vector<1024x512xi1> to vector<1024x512xi32>
    %convert_element_type3A_5 = arith.sitofp %convert_element_type3A : vector<1024x512xi32> to vector<1024x512xf32>
    %convert_element_type3A_6 = arith.truncf %convert_element_type3A_5 : vector<1024x512xf32> to vector<1024x512xbf16>
    %get3A_7 = arith.constant 0 : index
    %get3A_8 = arith.constant 0 : index
    %get3A_9 = vector.load %arg2[%get3A_7, %get3A_8] : memref<512x1024xbf16, #tpu.memory_space<vmem>>, vector<512x1024xbf16>
    %dot_general3A = arith.constant dense<0.000000e+00> : vector<1024x1024xf32>
    %dot_general3A_10 = tpu.matmul %convert_element_type3A_6, %get3A_9, %dot_general3A {dimension_numbers = #tpu.dot_dimension_numbers<[1], [0], [0], [1], [0, 0, 1, 1], [], []>, transpose_lhs_hint = false} : vector<1024x512xbf16>, vector<512x1024xbf16>, vector<1024x1024xf32> -> vector<1024x1024xf32>
    %swap3A = arith.constant 0 : index
    %swap3A_11 = arith.constant 0 : index
    %swap3A_12 = vector.load %arg4[%swap3A, %swap3A_11] : memref<1024x1024xf32, #tpu.memory_space<vmem>>, vector<1024x1024xf32>
    tpu.vector_store %arg4[%swap3A, %swap3A_11], %dot_general3A_10 {strides = array<i32>} : memref<1024x1024xf32, #tpu.memory_space<vmem>>, vector<1024x1024xf32>,
    return
  }
  func.func @transform_0(%arg0: i32) -> (i32, i32, i32) {
    %c0_i32 = arith.constant 0 : i32
    %c0_i32_0 = arith.constant 0 : i32
    %c0_i32_1 = arith.constant 0 : i32
    return %arg0, %c0_i32, %c0_i32_0 : i32, i32, i32
  }
  func.func @transform_1(%arg0: i32) -> (i32, i32) {
    %c0_i32 = arith.constant 0 : i32
    %c0_i32_0 = arith.constant 0 : i32
    %c0_i32_1 = arith.constant 0 : i32
    return %c0_i32, %c0_i32_0 : i32, i32
  }
  func.func @transform_3(%arg0: i32) -> (i32, i32) {
    %c0_i32 = arith.constant 0 : i32
    %c0_i32_0 = arith.constant 0 : i32
    return %arg0, %c0_i32 : i32, i32
  }
}

</mosaic_0001>

<sc_bundles>
// kernel: kernel.4.cloned.1.call-start
scs
__scs_entry_jumppad:
0x0: {  	(pc) =	sbr.rel $0x88, $3  }
0x1: {  	(tag) =	ssettag $0x0;
	lr =	simm.s32 $0x1  }
0x2: {  	[smem:$0x3F9E] =	sst lr;
	_ =	strace $0xD0000000  }
0x3: {  	_ = 	snop  }
0x4: {  	_ = 	snop  }
0x5: {  	_ = 	snop  }
0x6: {  	_ = 	snop  }
0x7: {  	_ = 	snop  }
__scs_overlays_trampoline_lowered:
0x8: {  	[smem:$0x3FAD] =	sst s0  }
0x9: {  	[smem:$0x3FAE] =	sst s1  }
0xa: {  	[smem:$0x3FAF] =	sst s2  }
0xb: {  	[smem:$0x3FB0] =	sst s3  }
0xc: {  	[smem:$0x3FB1] =	sst s4  }
0xd: {  	[smem:$0x3FB2] =	sst s5  }
0xe: {  	[smem:$0x3FB3] =	sst s6  }
0xf: {  	[smem:$0x3FB4] =	sst s7  }
0x10: {  	[smem:$0x3FB5] =	sst s8  }
0x11: {  	[smem:$0x3FB6] =	sst s9;
	s0 =	simm.s32 @!p0 $0x0  }
0x12: {  	s1 =	sld [smem:$0x3F9C];
	s0 =	simm.s32 @p0 $0x1  }
0x13: {  	[smem:$0x3FB7] =	sst s0;
	s0 =	simm.s32 @!p1 $0x0  }
0x14: {  	s2 =	sld [smem:$0x3F9B];
	s0 =	simm.s32 @p1 $0x1  }
0x15: {  	[smem:$0x3FB8] =	sst s0;
	s0 =	simm.s32 @!p2 $0x0  }
0x16: {  	s3 =	sld [smem:$0x3FDB];
	s0 =	simm.s32 @p2 $0x1  }
0x17: {  	s4 =	simm.s32 $0x1BF5;
	[smem:$0x3FBA] =	sst s0  }
0x18: {  	s0 =	sld [smem:$0x3F9D];
	_ =	swait.ge [sflag:s4], $0x0  }
0x19: {  	s7 =	sld [smem:$0x3F9E]  }
0x1a: {  	s8 =	sadd.s32 $0xFFFFE003, lr  }
0x1b: {  	s9 =	sadd.s32 $0xFFFFFEF7, lr;
	s5 =	simm.s32 $0xFFFFFFFF;
	p2 =	slt.u32 s8, $0xFFFFF086  }
0x1c: {  	p1 =	slt.u32 s9, $0xF7A;
	s5 =	simm.s32 @!p2 $0x0  }
0x1d: {  	s5 =	simm.s32 @p1 $0x1;
	p0 =	seq.s32 s7, s2  }
0x1e: {  	s7 =	smul.u32 @!p0 $0xF7A, s2;
	p2 =	seq.s32 @!p0 s5, $0x0  }
0x1f: {  	s9 =	smul.u32 $0xF7A, s1;
	s8 =	simm.s32 @!p0 $0x1BF5;
	p2 =	por !p2, p0  }
0x20: {  	[sflag:s8] =	ssyncset.s32 @!p0 $0xFFFFF086;
	s6 =	sadd.s32 @!p0 s3, s7;
	s7 =	simm.s32 @!p0 $0x108  }
0x21: {  	s3 =	sadd.s32 s3, s9;
	s6 =	sadd.s32 @!p0 $0x88, s6;
	s7 =	simm.s32 @p2 $0x1082  }
0x22: {  	[simem:s7], [sflag:s8] =	dma.local @!p0 [hbm:s6], $0xF7A  }
0x23: {  	s9 =	sor.u32 $0xD0000000, s2;
	s6 =	simm.s32 $0x108;
	_ =	swait.ge @!p0 [sflag:s8], $0x0  }
0x24: {  	s3 =	sadd.s32 $0x88, s3;
	s6 =	simm.s32 @!p1 $0x1082;
	[sflag:s4] =	ssyncset.s32 $0xFFFFF086  }
0x25: {  	[simem:s6], [sflag:s4] =	dma.local [hbm:s3], $0xF7A  }
0x26: {  	[smem:$0x3F9E] =	sst s1;
	(tag) =	ssettag s2;
	_ =	strace s9  }
0x27: {  	s1 =	sld [smem:$0x3FAE]  }
0x28: {  	s2 =	sld [smem:$0x3FAF]  }
0x29: {  	s4 =	sld [smem:$0x3FB1]  }
0x2a: {  	p0 =	seq.s32 s5, $0x0;
	s5 =	sld [smem:$0x3FB2]  }
0x2b: {  	s6 =	sld [smem:$0x3FB3]  }
0x2c: {  	s7 =	sld [smem:$0x3FB4]  }
0x2d: {  	s3 =	simm.s32 $0x108;
	s8 =	sld [smem:$0x3FB5]  }
0x2e: {  	s3 =	simm.s32 @!p0 $0x1082;
	s9 =	sld [smem:$0x3FB6]  }
0x2f: {  	lr =	sadd.s32 s0, s3;
	s0 =	sld [smem:$0x3FAD]  }
0x30: {  	s3 =	sld [smem:$0x3FB0]  }
0x31: {  	[smem:$0x3FB9] =	sst s10  }
0x32: {  	s10 =	sld [smem:$0x3FB7];
	_ =	sdelay $0x3  }
0x33: {  	p0 =	seq.s32 s10, $0x1;
	s10 =	sld [smem:$0x3FB9];
	_ =	sdelay $0x3  }
0x34: {  	[smem:$0x3FB9] =	sst s10  }
0x35: {  	s10 =	sld [smem:$0x3FB8];
	_ =	sdelay $0x3  }
0x36: {  	p1 =	seq.s32 s10, $0x1;
	s10 =	sld [smem:$0x3FB9];
	_ =	sdelay $0x3  }
0x37: {  	[smem:$0x3FB9] =	sst s10  }
0x38: {  	s10 =	sld [smem:$0x3FBA]  }
0x39: {  	_ = 	snop;
	(pc) =	sbr.ind lr, $3  }
0x3a: {  	_ = 	snop  }
0x3b: {  	_ = 	snop  }
0x3c: {  	p2 =	seq.s32 s10, $0x1;
	s10 =	sld [smem:$0x3FB9]  }
0x3d: {  	_ =	shalt  }
0x3e: {  	_ =	shalt  }
0x3f: {  	_ =	shalt  }
0x40: {  	_ =	shalt  }
0x41: {  	_ =	shalt  }
0x42: {  	_ =	shalt  }
0x43: {  	_ =	shalt  }
0x44: {  	_ =	shalt  }
0x45: {  	_ =	shalt  }
0x46: {  	_ =	shalt  }
0x47: {  	_ =	shalt  }
0x48: {  	_ =	shalt  }
0x49: {  	_ =	shalt  }
0x4a: {  	_ =	shalt  }
0x4b: {  	_ =	shalt  }
0x4c: {  	_ =	shalt  }
0x4d: {  	_ =	shalt  }
0x4e: {  	_ =	shalt  }
0x4f: {  	_ =	shalt  }
0x50: {  	_ =	shalt  }
0x51: {  	_ =	shalt  }
0x52: {  	_ =	shalt  }
0x53: {  	_ =	shalt  }
0x54: {  	_ =	shalt  }
0x55: {  	_ =	shalt  }
0x56: {  	_ =	shalt  }
0x57: {  	_ =	shalt  }
0x58: {  	_ =	shalt  }
0x59: {  	_ =	shalt  }
0x5a: {  	_ =	shalt  }
0x5b: {  	_ =	shalt  }
0x5c: {  	_ =	shalt  }
0x5d: {  	_ =	shalt  }
0x5e: {  	_ =	shalt  }
0x5f: {  	_ =	shalt  }
0x60: {  	_ =	shalt  }
0x61: {  	_ =	shalt  }
0x62: {  	_ =	shalt  }
0x63: {  	_ =	shalt  }
0x64: {  	_ =	shalt  }
0x65: {  	_ =	shalt  }
0x66: {  	_ =	shalt  }
0x67: {  	_ =	shalt  }
0x68: {  	_ =	shalt  }
0x69: {  	_ =	shalt  }
0x6a: {  	_ =	shalt  }
0x6b: {  	_ =	shalt  }
0x6c: {  	_ =	shalt  }
0x6d: {  	_ =	shalt  }
0x6e: {  	_ =	shalt  }
0x6f: {  	_ =	shalt  }
0x70: {  	_ =	shalt  }
0x71: {  	_ =	shalt  }
0x72: {  	_ =	shalt  }
0x73: {  	_ =	shalt  }
0x74: {  	_ =	shalt  }
0x75: {  	_ =	shalt  }
0x76: {  	_ =	shalt  }
0x77: {  	_ =	shalt  }
0x78: {  	_ =	shalt  }
0x79: {  	_ =	shalt  }
0x7a: {  	_ =	shalt  }
0x7b: {  	_ =	shalt  }
0x7c: {  	_ =	shalt  }
0x7d: {  	_ =	shalt  }
0x7e: {  	_ =	shalt  }
0x7f: {  	_ =	shalt  }
0x80: {  	_ =	shalt  }
0x81: {  	_ =	shalt  }
0x82: {  	_ =	shalt  }
0x83: {  	_ =	shalt  }
0x84: {  	_ =	shalt  }
0x85: {  	_ =	shalt  }
0x86: {  	_ =	shalt  }
0x87: {  	_ =	shalt  }
.Lfunc_end0:
.L_simem_size_0:
called_computation_lowered:
.L_overlay_start_0:
0x88: {  	s2 =	sld [smem:$0x3FD9]  }
0x89: {  	s3 =	sld [smem:$0x3FFE];
	_ =	sdelay $0x1  }
0x8a: {  	s1 =	srdreg.scid  }
0x8b: {  	s0 =	sand.u32 $0x1, s1  }
0x8c: {  	s18 =	sshll.u32 s0, $0xA;
	s2 =	sadd.s32 s3, s2  }
0x8d: {  	s2 =	sadd.s32 s2, s18  }
0x8e: {  	[smem:$0x3FC5] =	sst s2  }
0x8f: {  	_ = 	snop  }
0x90: {  	s2 =	sld [smem:$0x3FC9]  }
0x91: {  	s19 =	sld [smem:$0x3FC7]  }
0x92: {  	s4 =	sld [smem:$0x3FD0];
	(tm) =	ssettm $0x1  }
0x93: {  	s5 =	sld [smem:$0x3FFB];
	_ =	sdelay $0x3  }
0x94: {  	_ =	strace s5  }
0x95: {  	s5 =	sld [smem:$0x3FFC];
	_ =	sdelay $0x3  }
0x96: {  	_ =	strace s5  }
0x97: {  	s5 =	sld [smem:$0x3FFD];
	_ =	sdelay $0x3  }
0x98: {  	_ =	strace s5  }
0x99: {  	_ =	strace $0x8FFFFFFF  }
0x9a: {  	s20 =	sld [smem:$0x3FDB];
	_ =	sdelay $0x1  }
0x9b: {  	s6 =	simm.s32 $_scs_section_size  }
0x9c: {  	s7 =	simm.s32 $_size__tile_overlayer_lowered;
	s8 =	simm.s32 $_tile_overlayer_lowered  }
0x9d: {  	s23 =	simm.s32 $0x1BFF;
	s22 =	sshll.u32 s8, $0x1;
	s5 =	sadd.s32 s6, s20  }
0x9e: {  	s9 =	simm.s32 $0x0;
	s21 =	sshll.u32 s7, $0x1;
	s7 =	sadd.s32 s22, s5  }
0x9f: {  	[timem:s9], [sflag:s23] =	dma.local [hbm:s7], s21  }
0xa0: {  	_ =	swait.ge [sflag:s23], s21  }
0xa1: {  	s6 =	ssub.s32 $0x0, s21;
	[sflag:s23] =	ssyncset.done $0x0  }
0xa2: {  	[sflag:s23] =	ssyncadd.s32 s6;
	_ =	sdelay $0x1  }
0xa3: {  	s24 =	simm.s32 $0x1B8B  }
0xa4: {  	_ =	swait.ge [sflag:s24], $0x1  }
0xa5: {  	[sflag:s24] =	ssyncset.done $0x0  }
0xa6: {  	s25 =	simm.s32 $0x1B8E;
	[sflag:s24] =	ssyncadd.s32 $0xFFFFFFFF  }
0xa7: {  	s26 =	simm.s32 $execute0_lowered;
	[smem:$0x3FD2] =	sst s25  }
0xa8: {  	s6 =	sshll.u32 s26, $0x1;
	_ =	strace $0x80000046;
	[dreg:$0x1] =	wrdreg $0xFFFFFFFF  }
0xa9: {  	s28 =	simm.s32 $_size_execute0_lowered;
	s5 =	sadd.s32 s5, s6;
	[dreg:$0x0] =	wrdreg $0x0  }
0xaa: {  	s6 =	sshll.u32 s28, $0x1;
	[dreg:$0x2] =	wrdreg s5  }
0xab: {  	[dreg:$0x3] =	wrdreg s6  }
0xac: {  	[dreg:$0x4] =	wrdreg $0xC0  }
0xad: {  	_ =	task [dreg:s9], $0x5FFFF  }
0xae: {  	[dreg:$0x1] =	wrdreg $0xFFFFFFFF  }
0xaf: {  	[dreg:$0x0] =	wrdreg $0x60  }
0xb0: {  	[dreg:$0x2] =	wrdreg s2  }
0xb1: {  	[dreg:$0x3] =	wrdreg s19  }
0xb2: {  	[dreg:$0x4] =	wrdreg s4  }
0xb3: {  	[dreg:$0x5] =	wrdreg $0x9  }
0xb4: {  	_ =	task.clear_ibuf [dreg:s9], $0x6FFFF;
	_ =	strace $0x90000046  }
0xb5: {  	s29 =	simm.s32 $0x9;
	_ =	strace $0x80000048  }
0xb6: {  	_ =	swait.ge [sflag:s29], $0x1  }
0xb7: {  	[sflag:s29] =	ssyncadd.s32 $0xFFFFFFFF  }
0xb8: {  	_ =	strace $0x90000048  }
0xb9: {  	_ =	sfence  }
0xba: {  	s30 =	sld [smem:$0x0];
	_ =	sdelay $0x2  }
0xbb: {  	s31 =	sshll.u32 s1, $0xD;
	s1 =	sshrl.u32 s1, $0x2  }
0xbc: {  	s3 =	sand.u32 $0x4000, s31;
	s1 =	sadd.s32 s1, s30  }
0xbd: {  	s0 =	sor.u32 s3, s0;
	s1 =	sshll.u32 s1, $0x11  }
0xbe: {  	s0 =	sor.u32 s1, s0  }
0xbf: {  	s0 =	sadd.s32 $0x8F2B, s0  }
0xc0: {  	[sflag:s0] =	ssyncadd.remote.s32 $0x1  }
0xc1: {  	_ =	sfence.sel $0xFFFF  }
0xc2: {  	[dreg:$0x0] =	wrdreg $0xFFFFFFFF;
	(pc) =	sbr.abs _section_cstart, $3  }
0xc3: {  	[dreg:$0x1] =	wrdreg $0xFFFFFFFF  }
0xc4: {  	_ =	task.clear_ibuf [dreg:s9], $0x2FFFF;
	_ =	strace $0x9FFFFFFF  }
0xc5: {  	(tm) =	ssettm $0x7FFFFFFF  }
tec
execute0_lowered:
.L_overlay_start_1:
0x0: {  	(tag) =	ssettag $0x1  }
0x1: {  	s1 =	rddreg [dreg:$0x0]  }
0x2: {  	s3 =	srdreg.scid;
	s2 =	rddreg [dreg:$0x1]  }
0x3: {  	s0 =	stileid.u32;
	s5 =	rddreg [dreg:$0x2];
	s11 =	simm.s32 $0x5  }
0x4: {  	s12 =	simm.s32 $0x80;
	s13 =	simm.s32 $0x880;
	s14 =	simm.s32 $0x1080  }
0x5: {  	s15 =	simm.s32 $0x1880;
	s16 =	simm.s32 $0x2080;
	s17 =	simm.s32 $0x2880  }
0x6: {  	s18 =	simm.s32 $0x3080;
	s19 =	simm.s32 $0x3880;
	s20 =	simm.s32 $0x4080  }
0x7: {  	s21 =	simm.s32 $0x4880;
	s22 =	simm.s32 $0x5080;
	s23 =	simm.s32 $0x5880  }
0x8: {  	s28 =	simm.s32 $0x7880;
	s29 =	simm.s32 $0x1;
	s30 =	simm.s32 $0x3  }
0x9: {  	s31 =	simm.s32 $0x2;
	s4 =	sand.u32 $0x1, s3;
	s3 =	simm.s32 $0x0  }
0xa: {  	s6 =	sshll.u32 s0, $0x7;
	s7 =	sshll.u32 s4, $0x6;
	[smem:$0x7FF] =	sst s3  }
0xb: {  	s4 =	ssub.s32 $0x2, s4;
	s6 =	sor.u32 s7, s6;
	_ =	strace $0x80000047  }
0xc: {  	s24 =	sshrl.u32 s4, $0x1;
	s7 =	sshrl.u32 s6, $0x3;
	s6 =	sshll.u32 s6, $0x7  }
0xd: {  	s10 =	ssub.s32 s4, s24;
	s4 =	sadd.s32 $0x100, s2;
	s24 =	simm.s32 $0x6080  }
0xe: {  	s1 =	sadd.s32 s7, s1;
	s25 =	sadd.s32 s6, s5;
	s5 =	sadd.s32 $0x200, s2  }
0xf: {  	s6 =	sadd.s32 $0x300, s2;
	s10 =	smax.u32 s10, $0x1;
	s1 =	sadd.s32 $0x100, s1  }
0x10: {  	v2 =	vlaneseq.u32;
	s26 =	sadd.s32 $0xC0000, s25;
	s7 =	sadd.s32 $0xC0800, s25;
	s8 =	sadd.s32 $0xC1000, s25  }
0x11: {  	vm0 =	vmmov $0xffff;
	v1 =	vshrl.u32 v2, $0x3;
	s9 =	sadd.s32 $0xC1800, s25;
	s25 =	simm.s32 $0x6880;
	[dreg:$0x4] =	wrdreg s1  }
0x12: {  	v0 =	vand.u32 $0x7, v2;
	v2 =	vor.u32 $0x8, v2;
	v1 =	vmul.u32 $0x8, v1;
	[dreg:$0x5] =	wrdreg s26;
	s26 =	simm.s32 $0x7080;
	s1 =	simm.s32 $0x4  }
.LBB2_1:
0x13: {  	s0 =	rddreg [dreg:$0x4]  }
0x14: {  	[tilespmem:s3], [sflag:$0x5] =	stream.linear.gather [hbm4b:s0+s3], $0x40, $0x38;
	[tilespmem:$0x8080] =	vst v63  }
0x15: {  	_ =	swait.ge [sflag:s11], $0x40  }
0x16: {  	[sflag:s11] =	ssyncset.done $0x0  }
0x17: {  	[sflag:s11] =	ssyncadd.s32 $0xFFFFFFC0  }
0x18: {  	v3 =	vld [tilespmem:$0x0];
	_ =	sdelay $0x4  }
0x19: {  	v4 =	vshll.u32 v3, $0x3  }
0x1a: {  	v3 =	vand.u32 $0x7, v3;
	v4 =	vand.u32 $0xFFFFFFC0, v4  }
0x1b: {  	v3 =	vor.u32 v3, v4  }
0x1c: {  	v4 =	vperm.xlane v3, v0;
	_ =	sdelay $0x1  }
0x1d: {  	v4 =	vadd.s32 v1, v4;
	_ =	sdelay $0x4  }
0x1e: {  	[tilespmem:s12], [sflag:$0x1] =	stream.indirect_vreg.gather [hbm4b:s2+s3], $0x80, v4, vm0, $0xb8;
	[tilespmem:$0x8080] =	vst v63  }
0x1f: {  	v3 =	vperm.xlane v3, v2  }
0x20: {  	[tilespmem:s13], [sflag:$0x1] =	stream.indirect_vreg.gather [hbm4b:s4+s3], $0x80, v4, vm0, $0xb8;
	[tilespmem:$0x8080] =	vst v63  }
0x21: {  	v3 =	vadd.s32 v1, v3  }
0x22: {  	[tilespmem:s14], [sflag:$0x1] =	stream.indirect_vreg.gather [hbm4b:s5+s3], $0x80, v4, vm0, $0xb8;
	[tilespmem:$0x8080] =	vst v63  }
0x23: {  	_ = 	snop  }
0x24: {  	[tilespmem:s15], [sflag:$0x1] =	stream.indirect_vreg.gather [hbm4b:s6+s3], $0x80, v4, vm0, $0xb8;
	[tilespmem:$0x8080] =	vst v63  }
0x25: {  	_ = 	snop  }
0x26: {  	[tilespmem:s16], [sflag:$0x1] =	stream.indirect_vreg.gather [hbm4b:s2+s3], $0x80, v3, vm0, $0xb8;
	[tilespmem:$0x8080] =	vst v63  }
0x27: {  	_ = 	snop  }
0x28: {  	[tilespmem:s17], [sflag:$0x1] =	stream.indirect_vreg.gather [hbm4b:s4+s3], $0x80, v3, vm0, $0xb8;
	[tilespmem:$0x8080] =	vst v63  }
0x29: {  	_ = 	snop  }
0x2a: {  	[tilespmem:s18], [sflag:$0x1] =	stream.indirect_vreg.gather [hbm4b:s5+s3], $0x80, v3, vm0, $0xb8;
	[tilespmem:$0x8080] =	vst v63  }
0x2b: {  	_ = 	snop  }
0x2c: {  	[tilespmem:s19], [sflag:$0x1] =	stream.indirect_vreg.gather [hbm4b:s6+s3], $0x80, v3, vm0, $0xb8;
	[tilespmem:$0x8080] =	vst v63  }
0x2d: {  	v3 =	vld [tilespmem:$0x10];
	_ =	sdelay $0x4  }
0x2e: {  	v61 =	vshll.u32 v3, $0x3  }
0x2f: {  	v3 =	vand.u32 $0x7, v3;
	v4 =	vand.u32 $0xFFFFFFC0, v61  }
0x30: {  	v3 =	vor.u32 v3, v4  }
0x31: {  	v4 =	vperm.xlane v3, v0;
	_ =	sdelay $0x1  }
0x32: {  	v4 =	vadd.s32 v1, v4;
	_ =	sdelay $0x4  }
0x33: {  	[tilespmem:s20], [sflag:$0x2] =	stream.indirect_vreg.gather [hbm4b:s2+s3], $0x80, v4, vm0, $0xb8;
	[tilespmem:$0x8080] =	vst v63  }
0x34: {  	v3 =	vperm.xlane v3, v2  }
0x35: {  	[tilespmem:s21], [sflag:$0x2] =	stream.indirect_vreg.gather [hbm4b:s4+s3], $0x80, v4, vm0, $0xb8;
	[tilespmem:$0x8080] =	vst v63  }
0x36: {  	v3 =	vadd.s32 v1, v3  }
0x37: {  	[tilespmem:s22], [sflag:$0x2] =	stream.indirect_vreg.gather [hbm4b:s5+s3], $0x80, v4, vm0, $0xb8;
	[tilespmem:$0x8080] =	vst v63  }
0x38: {  	_ = 	snop  }
0x39: {  	[tilespmem:s23], [sflag:$0x2] =	stream.indirect_vreg.gather [hbm4b:s6+s3], $0x80, v4, vm0, $0xb8;
	[tilespmem:$0x8080] =	vst v63  }
0x3a: {  	_ = 	snop  }
0x3b: {  	[tilespmem:s24], [sflag:$0x2] =	stream.indirect_vreg.gather [hbm4b:s2+s3], $0x80, v3, vm0, $0xb8;
	[tilespmem:$0x8080] =	vst v63  }
0x3c: {  	_ = 	snop  }
0x3d: {  	[tilespmem:s25], [sflag:$0x2] =	stream.indirect_vreg.gather [hbm4b:s4+s3], $0x80, v3, vm0, $0xb8;
	[tilespmem:$0x8080] =	vst v63  }
0x3e: {  	_ = 	snop  }
0x3f: {  	[tilespmem:s26], [sflag:$0x2] =	stream.indirect_vreg.gather [hbm4b:s5+s3], $0x80, v3, vm0, $0xb8;
	[tilespmem:$0x8080] =	vst v63  }
0x40: {  	_ = 	snop  }
0x41: {  	[tilespmem:s28], [sflag:$0x2] =	stream.indirect_vreg.gather [hbm4b:s6+s3], $0x80, v3, vm0, $0xb8;
	[tilespmem:$0x8080] =	vst v63  }
0x42: {  	_ =	swait.ge [sflag:s29], $0x4000  }
0x43: {  	[sflag:s29] =	ssyncset.done $0x0  }
0x44: {  	s0 =	rddreg [dreg:$0x5];
	[sflag:s29] =	ssyncadd.s32 $0xFFFFC000  }
0x45: {  	[hbm4b:s0+s3] =	stream.linear.scatter [tilespmem:s12], [sflag:$0x3], $0x4000, $0x38;
	[tilespmem:$0x8080] =	vst v63  }
0x46: {  	_ =	swait.ge [sflag:s30], $0x4000  }
0x47: {  	[sflag:s30] =	ssyncset.done $0x0  }
0x48: {  	[sflag:s30] =	ssyncadd.s32 $0xFFFFC000  }
0x49: {  	v3 =	vld [tilespmem:$0x20];
	_ =	sdelay $0x4  }
0x4a: {  	v62 =	vshll.u32 v3, $0x3  }
0x4b: {  	v3 =	vand.u32 $0x7, v3;
	v4 =	vand.u32 $0xFFFFFFC0, v62  }
0x4c: {  	v3 =	vor.u32 v3, v4  }
0x4d: {  	v4 =	vperm.xlane v3, v0;
	_ =	sdelay $0x1  }
0x4e: {  	v4 =	vadd.s32 v1, v4;
	_ =	sdelay $0x4  }
0x4f: {  	[tilespmem:s12], [sflag:$0x1] =	stream.indirect_vreg.gather [hbm4b:s2+s3], $0x80, v4, vm0, $0xb8;
	[tilespmem:$0x8080] =	vst v63  }
0x50: {  	v3 =	vperm.xlane v3, v2  }
0x51: {  	[tilespmem:s13], [sflag:$0x1] =	stream.indirect_vreg.gather [hbm4b:s4+s3], $0x80, v4, vm0, $0xb8;
	[tilespmem:$0x8080] =	vst v63  }
0x52: {  	v3 =	vadd.s32 v1, v3  }
0x53: {  	[tilespmem:s14], [sflag:$0x1] =	stream.indirect_vreg.gather [hbm4b:s5+s3], $0x80, v4, vm0, $0xb8;
	[tilespmem:$0x8080] =	vst v63  }
0x54: {  	_ = 	snop  }
0x55: {  	[tilespmem:s15], [sflag:$0x1] =	stream.indirect_vreg.gather [hbm4b:s6+s3], $0x80, v4, vm0, $0xb8;
	[tilespmem:$0x8080] =	vst v63  }
0x56: {  	_ = 	snop  }
0x57: {  	[tilespmem:s16], [sflag:$0x1] =	stream.indirect_vreg.gather [hbm4b:s2+s3], $0x80, v3, vm0, $0xb8;
	[tilespmem:$0x8080] =	vst v63  }
0x58: {  	_ = 	snop  }
0x59: {  	[tilespmem:s17], [sflag:$0x1] =	stream.indirect_vreg.gather [hbm4b:s4+s3], $0x80, v3, vm0, $0xb8;
	[tilespmem:$0x8080] =	vst v63  }
0x5a: {  	_ = 	snop  }
0x5b: {  	[tilespmem:s18], [sflag:$0x1] =	stream.indirect_vreg.gather [hbm4b:s5+s3], $0x80, v3, vm0, $0xb8;
	[tilespmem:$0x8080] =	vst v63  }
0x5c: {  	_ = 	snop  }
0x5d: {  	[tilespmem:s19], [sflag:$0x1] =	stream.indirect_vreg.gather [hbm4b:s6+s3], $0x80, v3, vm0, $0xb8;
	[tilespmem:$0x8080] =	vst v63  }
0x5e: {  	_ =	swait.ge [sflag:s31], $0x4000  }
0x5f: {  	[sflag:s31] =	ssyncset.done $0x0  }
0x60: {  	[sflag:s31] =	ssyncadd.s32 $0xFFFFC000  }
0x61: {  	[hbm4b:s7+s3] =	stream.linear.scatter [tilespmem:s20], [sflag:$0x4], $0x4000, $0x38;
	[tilespmem:$0x8080] =	vst v63  }
0x62: {  	_ =	swait.ge [sflag:s1], $0x4000  }
0x63: {  	[sflag:s1] =	ssyncset.done $0x0  }
0x64: {  	[sflag:s1] =	ssyncadd.s32 $0xFFFFC000  }
0x65: {  	v3 =	vld [tilespmem:$0x30];
	_ =	sdelay $0x4  }
0x66: {  	v63 =	vshll.u32 v3, $0x3  }
0x67: {  	v3 =	vand.u32 $0x7, v3;
	v4 =	vand.u32 $0xFFFFFFC0, v63  }
0x68: {  	v3 =	vor.u32 v3, v4  }
0x69: {  	v4 =	vperm.xlane v3, v0;
	_ =	sdelay $0x1  }
0x6a: {  	v4 =	vadd.s32 v1, v4;
	_ =	sdelay $0x4  }
0x6b: {  	[tilespmem:s20], [sflag:$0x2] =	stream.indirect_vreg.gather [hbm4b:s2+s3], $0x80, v4, vm0, $0xb8;
	[tilespmem:$0x8080] =	vst v63  }
0x6c: {  	v3 =	vperm.xlane v3, v2  }
0x6d: {  	[tilespmem:s21], [sflag:$0x2] =	stream.indirect_vreg.gather [hbm4b:s4+s3], $0x80, v4, vm0, $0xb8;
	[tilespmem:$0x8080] =	vst v63  }
0x6e: {  	v3 =	vadd.s32 v1, v3  }
0x6f: {  	[tilespmem:s22], [sflag:$0x2] =	stream.indirect_vreg.gather [hbm4b:s5+s3], $0x80, v4, vm0, $0xb8;
	[tilespmem:$0x8080] =	vst v63  }
0x70: {  	_ = 	snop  }
0x71: {  	[tilespmem:s23], [sflag:$0x2] =	stream.indirect_vreg.gather [hbm4b:s6+s3], $0x80, v4, vm0, $0xb8;
	[tilespmem:$0x8080] =	vst v63  }
0x72: {  	_ = 	snop  }
0x73: {  	[tilespmem:s24], [sflag:$0x2] =	stream.indirect_vreg.gather [hbm4b:s2+s3], $0x80, v3, vm0, $0xb8;
	[tilespmem:$0x8080] =	vst v63  }
0x74: {  	_ = 	snop  }
0x75: {  	[tilespmem:s25], [sflag:$0x2] =	stream.indirect_vreg.gather [hbm4b:s4+s3], $0x80, v3, vm0, $0xb8;
	[tilespmem:$0x8080] =	vst v63  }
0x76: {  	_ = 	snop  }
0x77: {  	[tilespmem:s26], [sflag:$0x2] =	stream.indirect_vreg.gather [hbm4b:s5+s3], $0x80, v3, vm0, $0xb8;
	[tilespmem:$0x8080] =	vst v63  }
0x78: {  	_ = 	snop  }
0x79: {  	[tilespmem:s28], [sflag:$0x2] =	stream.indirect_vreg.gather [hbm4b:s6+s3], $0x80, v3, vm0, $0xb8;
	[tilespmem:$0x8080] =	vst v63  }
0x7a: {  	_ =	swait.ge [sflag:s29], $0x4000  }
0x7b: {  	[sflag:s29] =	ssyncset.done $0x0  }
0x7c: {  	[sflag:s29] =	ssyncadd.s32 $0xFFFFC000  }
0x7d: {  	[hbm4b:s8+s3] =	stream.linear.scatter [tilespmem:s12], [sflag:$0x3], $0x4000, $0x38;
	[tilespmem:$0x8080] =	vst v63  }
0x7e: {  	_ =	swait.ge [sflag:s31], $0x4000  }
0x7f: {  	[sflag:s31] =	ssyncset.done $0x0  }
0x80: {  	[sflag:s31] =	ssyncadd.s32 $0xFFFFC000  }
0x81: {  	[hbm4b:s9+s3] =	stream.linear.scatter [tilespmem:s20], [sflag:$0x4], $0x4000, $0x38;
	[tilespmem:$0x8080] =	vst v63  }
0x82: {  	p0 =	sne.s32 s10, $0x1;
	_ =	swait.ge [sflag:s30], $0x4000  }
.Ltmp0:
0x83: {  	[sflag:s30] =	ssyncset.done $0x0;
	(pc) =	sbr.rel @p0 .LBB2_1-.Ltmp0, $4  }
0x84: {  	[sflag:s30] =	ssyncadd.s32 $0xFFFFC000  }
0x85: {  	_ =	swait.ge [sflag:s1], $0x4000  }
0x86: {  	[sflag:s1] =	ssyncset.done $0x0  }
0x87: {  	s10 =	sadd.s32 $0xFFFFFFFF, s10;
	[sflag:s1] =	ssyncadd.s32 $0xFFFFC000  }
0x88: {  	_ =	sfence.sel $0x180000  }
0x89: {  	[bflag:$0x0] =	sbarrier.arrive $0xFFFF  }
0x8a: {  	_ =	strace $0x90000047  }
0x8b: {  	s0 =	stileid.u32;
	[bflag:$0x2] =	sbarrier.arrive $0xFFFF  }
0x8c: {  	p0 =	sne.s32 s0, $0x0;
	s0 =	rddreg [dreg:$0x3]  }
0x8d: {  	s0 =	sadd.s32 @!p0 $0x100000, s0  }
0x8e: {  	[sflag:s0] =	ssyncadd.tile.s32 @!p0 $0x1;
	_ =	shalt  }
.Lfunc_end2:
_tile_overlayer_lowered:
.L_overlay_start_2:
0x8f: {  	(tag) =	ssettag $0x2  }
0x90: {  	s0 =	rddreg [dreg:$0x0];
	s2 =	stileid.u32  }
0x91: {  	s1 =	rddreg [dreg:$0x1];
	p0 =	sne.s32 s2, $0x0  }
0x92: {  	s3 =	rddreg [dreg:$0x2];
	[bflag:$0x3] =	sbarrier.arrive $0xFFFF;
	s2 =	simm.s32 @!p0 $0x1C05  }
0x93: {  	[timem:s3], [sflag:s2] =	dma.local @!p0 [hbm:s0], s1  }
0x94: {  	s0 =	simm.s32 @!p0 $0x5  }
0x95: {  	_ =	swait.ge @!p0 [sflag:s0], s1  }
0x96: {  	s1 =	ssub.s32 @!p0 $0x0, s1;
	[sflag:s0] =	ssyncset.done @!p0 $0x0  }
0x97: {  	[sflag:s0] =	ssyncadd.s32 @!p0 s1  }
0x98: {  	[bflag:$0x3] =	sbarrier.arrive $0xFFFF  }
0x99: {  	_ =	shalt  }

</sc_bundles>
